<compile_context>
chip_gen: v7x
topology: tpu7x:2x2x1
jax: 0.10.2.dev20260603
libtpu: 0.0.44.dev20260713+nightly
codegen_flags: <defaults>
</compile_context>

<pallas_src>
import functools

import jax
import jax.numpy as jnp
from jax import lax
from jax.experimental import pallas as pl
from jax.experimental.pallas import tpu as pltpu
from jax.experimental.pallas import tpu_sc as plsc

H, W = 224, 224
FH, FW = 3, 5
SH, SW = 14, 14
OH, OW = 16, 16
NBINS = 2


def _row_hist_body(xx_hbm, out_hbm, rows_v, out_v):
    core = lax.axis_index("c")
    row = lax.axis_index("s")

    @pl.when(core == 0)
    def _():
        pltpu.sync_copy(xx_hbm.at[pl.ds(row * SH, FH)], rows_v)

        lanes = lax.iota(jnp.int32, 16)
        cols = lanes * SW
        one = jnp.ones((16,), jnp.float32)
        zero = jnp.zeros((16,), jnp.float32)

        def tap(t, acc):
            r = t // FW
            c = t - r * FW
            v = plsc.load_gather(rows_v, [jnp.full((16,), r, jnp.int32),
                                          cols + c])
            return acc + jnp.where(v <= 0.0, one, zero)

        acc = lax.fori_loop(0, FH * FW, tap, jnp.zeros((16,), jnp.float32))

        plsc.store_scatter(out_v, [lanes * 2], acc)
        plsc.store_scatter(out_v, [lanes * 2 + 1], float(FH * FW) - acc)
        pltpu.sync_copy(out_v, out_hbm.at[pl.ds(row * (OW * NBINS), OW * NBINS)])


@jax.jit
def kernel(xx):
    mesh = plsc.VectorSubcoreMesh(core_axis_name="c", subcore_axis_name="s",
                                  num_cores=1)
    f = pl.kernel(
        _row_hist_body,
        out_type=jax.ShapeDtypeStruct((OH * OW * NBINS,), jnp.float32),
        mesh=mesh,
        scratch_types=[
            pltpu.VMEM((FH, W), jnp.float32),
            pltpu.VMEM((OW * NBINS,), jnp.float32),
        ],
        compiler_params=pltpu.CompilerParams(
            use_tc_tiling_on_sc=False, needs_layout_passes=False,
            disable_bounds_checks=True, disable_semaphore_checks=True,
            skip_device_barrier=True),
    )
    return f(xx).reshape(OH, OW, NBINS)

# --- scband reference (transcript-rebuilt; emitter-appended) ---
"""Pipeline reference for scband-hist-layer-31980326486793 (READ-ONLY COPY).

The authoritative reference and input builder live on the scoring server;
editing this copy changes nothing except your own understanding.
"""

import jax, jax.numpy as jnp
import numpy as np

D_IN = (224, 224)
FILT = (3, 5)
STRIDE = (14, 14)
PADDING = 0
HIST_BINS = jnp.array([0.0, 0.7], dtype=jnp.float32)
NUM_BINS = 2
D_OUT = ((D_IN[0] - FILT[0] + 2 * PADDING) // STRIDE[0] + 1,
         (D_IN[1] - FILT[1] + 2 * PADDING) // STRIDE[1] + 1)


def setup_inputs(seed: int = 0) -> dict:
    key = jax.random.key(seed)
    xx = jax.random.normal(key, D_IN, dtype=jnp.float32)
    return {"xx": xx}


def reference(xx):
    # Sliding-window histogram layer.
    # For each output cell (i, j), take the FILT-sized window at
    # (i*stride, j*stride) and count, per bin k, the number of pixels whose
    # first matching bin (v <= histBins[k]) is k; pixels above the last bin
    # edge are counted in the last bin (matching the torch break/fallthrough
    # semantics of bin_img, where k retains numBins-1 when no bin matches).
    Oh, Ow = D_OUT
    Fh, Fw = FILT
    Sh, Sw = STRIDE
    ii = (jnp.arange(Oh) * Sh)[:, None] + jnp.arange(Fh)[None, :]  # [Oh, Fh]
    jj = (jnp.arange(Ow) * Sw)[:, None] + jnp.arange(Fw)[None, :]  # [Ow, Fw]
    # Gather all windows: [Oh, Ow, Fh, Fw]
    windows = xx[ii[:, None, :, None], jj[None, :, None, :]]
    # First bin k with value <= histBins[k]
    le = windows[..., None] <= HIST_BINS  # [Oh, Ow, Fh, Fw, K]
    kidx = jnp.argmax(le, axis=-1)
    kidx = jnp.where(jnp.any(le, axis=-1), kidx, NUM_BINS - 1)
    onehot = (kidx[..., None] == jnp.arange(NUM_BINS)).astype(jnp.float32)
    output = onehot.reshape(Oh, Ow, Fh * Fw, NUM_BINS).sum(axis=2)
    return output  # [Oh, Ow, numBins]

if __name__ == "__main__":
    import jax
    _d = setup_inputs()
    print(jax.jit(kernel)(*tuple(_d.values())))

</pallas_src>

<mosaic_0001>
#map = affine_map<(d0, d1) -> (0, 0)>
#map1 = affine_map<(d0, d1) -> (0)>
module attributes {stable_mosaic.version = 14 : i64} {
  func.func @_row_hist_body(%arg0: i32, %arg1: i32, %arg2: memref<224x224xf32, #tpu.memory_space<hbm>>, %arg3: memref<512xf32, #tpu.memory_space<hbm>>, %arg4: memref<3x224xf32, #tpu.memory_space<vmem>>, %arg5: memref<32xf32, #tpu.memory_space<vmem>>) attributes {dimension_semantics = [#tpu.dimension_semantics<core_parallel>, #tpu.dimension_semantics<subcore_parallel>], iteration_bounds = array<i64: 1, 16>, scalar_prefetch = 0 : i64, scratch_operands = 2 : i64, tpu.core_type = #tpu.core_type<sc_vector_subcore>, window_params = [{transform_indices = #map}, {transform_indices = #map1}]} {
    %eq3A = arith.constant 0 : i32
    %eq3A_0 = arith.cmpi eq, %arg0, %eq3A : i32
    %convert_element_type3A = arith.extui %eq3A_0 : i1 to i32
    %cond3A = arith.constant 0 : i32
    %cond3A_1 = arith.cmpi ne, %convert_element_type3A, %cond3A : i32
    scf.if %cond3A_1 {
      %mul3A = arith.constant 14 : i32
      %mul3A_2 = arith.muli %arg1, %mul3A : i32
      "tpu.region"() ({
        %run_scoped3A = tpu.sem_alloc : memref<!tpu.dma_semaphore, #tpu.memory_space<semaphore_mem>>
        %dma_start3A = arith.constant 0 : i32
        %dma_start3A_28 = tpu.memref_slice %arg2[%mul3A_2, %dma_start3A] : memref<224x224xf32, #tpu.memory_space<hbm>> -> memref<3x224xf32, #tpu.memory_space<hbm>>
        %dma_start3A_29 = arith.constant 0 : i32
        %dma_start3A_30 = tpu.memref_slice %arg2[%mul3A_2, %dma_start3A_29] : memref<224x224xf32, #tpu.memory_space<hbm>> -> memref<3x224xf32, #tpu.memory_space<hbm>>
        tpu.enqueue_dma source(%dma_start3A_30 : memref<3x224xf32, #tpu.memory_space<hbm>>) target(%arg4 : memref<3x224xf32, #tpu.memory_space<vmem>>) target_semaphore(%run_scoped3A : memref<!tpu.dma_semaphore, #tpu.memory_space<semaphore_mem>>)
        %dma_wait3A = arith.constant 0 : i32
        %dma_wait3A_31 = tpu.memref_slice %arg2[%mul3A_2, %dma_wait3A] : memref<224x224xf32, #tpu.memory_space<hbm>> -> memref<3x224xf32, #tpu.memory_space<hbm>>
        %dma_wait3A_32 = arith.constant 0 : i32
        %dma_wait3A_33 = tpu.memref_slice %arg2[%mul3A_2, %dma_wait3A_32] : memref<224x224xf32, #tpu.memory_space<hbm>> -> memref<3x224xf32, #tpu.memory_space<hbm>>
        tpu.wait_dma2 semaphore(%run_scoped3A : memref<!tpu.dma_semaphore, #tpu.memory_space<semaphore_mem>>) src(%dma_wait3A_33 : memref<3x224xf32, #tpu.memory_space<hbm>>) dst(%arg4 : memref<3x224xf32, #tpu.memory_space<vmem>>)
        tpu.yield
      }) : () -> ()
      %iota3A = tpu.iota {dimensions = array<i32: 0>} : vector<16xi32>
      %mul3A_3 = arith.constant 14 : i32
      %mul3A_4 = vector.broadcast %mul3A_3 : i32 to vector<16xi32>
      %mul3A_5 = arith.muli %iota3A, %mul3A_4 : vector<16xi32>
      %broadcast_in_dim3A = arith.constant 1.000000e+00 : f32
      %broadcast_in_dim3A_6 = vector.broadcast %broadcast_in_dim3A : f32 to vector<16xf32>
      %broadcast_in_dim3A_7 = arith.constant 0.000000e+00 : f32
      %broadcast_in_dim3A_8 = vector.broadcast %broadcast_in_dim3A_7 : f32 to vector<16xf32>
      %broadcast_in_dim3A_9 = arith.constant 0.000000e+00 : f32
      %broadcast_in_dim3A_10 = vector.broadcast %broadcast_in_dim3A_9 : f32 to vector<16xf32>
      %scan3A = arith.constant 0 : i32
      %scan3A_11 = arith.constant 15 : i32
      %scan3A_12 = arith.addi %scan3A, %scan3A_11 : i32
      %scan3A_13 = arith.constant 1 : i32
      %scan3A_14 = scf.for %scan3A_28 = %scan3A to %scan3A_12 step %scan3A_13 iter_args(%scan3A_29 = %broadcast_in_dim3A_10) -> (vector<16xf32>)  : i32 {
        %jit3A = arith.constant 5 : i32
        %div3A = arith.divsi %scan3A_28, %jit3A : i32
        %sign3A = arith.constant 0 : i32
        %sign3A_30 = arith.cmpi sgt, %scan3A_28, %sign3A : i32
        %sign3A_31 = arith.extui %sign3A_30 : i1 to i32
        %sign3A_32 = arith.constant 0 : i32
        %sign3A_33 = arith.cmpi slt, %scan3A_28, %sign3A_32 : i32
        %sign3A_34 = arith.extui %sign3A_33 : i1 to i32
        %sign3A_35 = arith.subi %sign3A_31, %sign3A_34 : i32
        %sign3A_36 = arith.constant 0 : i32
        %sign3A_37 = arith.cmpi sgt, %jit3A, %sign3A_36 : i32
        %sign3A_38 = arith.extui %sign3A_37 : i1 to i32
        %sign3A_39 = arith.constant 0 : i32
        %sign3A_40 = arith.cmpi slt, %jit3A, %sign3A_39 : i32
        %sign3A_41 = arith.extui %sign3A_40 : i1 to i32
        %sign3A_42 = arith.subi %sign3A_38, %sign3A_41 : i32
        %ne3A = arith.cmpi ne, %sign3A_35, %sign3A_42 : i32
        %rem3A = arith.remsi %scan3A_28, %jit3A : i32
        %ne3A_43 = arith.constant 0 : i32
        %ne3A_44 = arith.cmpi ne, %rem3A, %ne3A_43 : i32
        %and3A = arith.andi %ne3A, %ne3A_44 : i1
        %sub3A_45 = arith.constant 1 : i32
        %sub3A_46 = arith.subi %div3A, %sub3A_45 : i32
        %select_n3A = arith.select %and3A, %sub3A_46, %div3A : i32
        %mul3A_47 = arith.constant 5 : i32
        %mul3A_48 = arith.muli %select_n3A, %mul3A_47 : i32
        %sub3A_49 = arith.subi %scan3A_28, %mul3A_48 : i32
        %broadcast_in_dim3A_50 = vector.broadcast %select_n3A : i32 to vector<16xi32>
        %add3A_51 = vector.broadcast %sub3A_49 : i32 to vector<16xi32>
        %add3A_52 = arith.addi %mul3A_5, %add3A_51 : vector<16xi32>
        %gather3A = tpu.vector_load_idx %arg4[%broadcast_in_dim3A_50, %add3A_52] : memref<3x224xf32, #tpu.memory_space<vmem>>[vector<16xi32>, vector<16xi32>], vector<16xf32>,
        %le3A = arith.constant 0.000000e+00 : f32
        %le3A_53 = vector.broadcast %le3A : f32 to vector<16xf32>
        %le3A_54 = arith.cmpf ole, %gather3A, %le3A_53 : vector<16xf32>
        %select_n3A_55 = arith.select %le3A_54, %broadcast_in_dim3A_6, %broadcast_in_dim3A_8 : vector<16xi1>, vector<16xf32>
        %add3A_56 = arith.addf %scan3A_29, %select_n3A_55 : vector<16xf32>
        scf.yield %add3A_56 : vector<16xf32>
      }
      %scan3A_15 = arith.constant 15 : i32
      %mul3A_16 = arith.constant 2 : i32
      %mul3A_17 = vector.broadcast %mul3A_16 : i32 to vector<16xi32>
      %mul3A_18 = arith.muli %iota3A, %mul3A_17 : vector<16xi32>
      tpu.vector_store_idx %arg5[%mul3A_18], %scan3A_14 : memref<32xf32, #tpu.memory_space<vmem>>[vector<16xi32>], vector<16xf32>,
      %mul3A_19 = arith.constant 2 : i32
      %mul3A_20 = vector.broadcast %mul3A_19 : i32 to vector<16xi32>
      %mul3A_21 = arith.muli %iota3A, %mul3A_20 : vector<16xi32>
      %add3A = arith.constant 1 : i32
      %add3A_22 = vector.broadcast %add3A : i32 to vector<16xi32>
      %add3A_23 = arith.addi %mul3A_21, %add3A_22 : vector<16xi32>
      %sub3A = arith.constant 1.500000e+01 : f32
      %sub3A_24 = vector.broadcast %sub3A : f32 to vector<16xf32>
      %sub3A_25 = arith.subf %sub3A_24, %scan3A_14 : vector<16xf32>
      tpu.vector_store_idx %arg5[%add3A_23], %sub3A_25 : memref<32xf32, #tpu.memory_space<vmem>>[vector<16xi32>], vector<16xf32>,
      %mul3A_26 = arith.constant 32 : i32
      %mul3A_27 = arith.muli %arg1, %mul3A_26 : i32
      "tpu.region"() ({
        %run_scoped3A = tpu.sem_alloc : memref<!tpu.dma_semaphore, #tpu.memory_space<semaphore_mem>>
        %dma_start3A = tpu.memref_slice %arg3[%mul3A_27] : memref<512xf32, #tpu.memory_space<hbm>> -> memref<32xf32, #tpu.memory_space<hbm>>
        %dma_start3A_28 = tpu.memref_slice %arg3[%mul3A_27] : memref<512xf32, #tpu.memory_space<hbm>> -> memref<32xf32, #tpu.memory_space<hbm>>
        tpu.enqueue_dma source(%arg5 : memref<32xf32, #tpu.memory_space<vmem>>) target(%dma_start3A_28 : memref<32xf32, #tpu.memory_space<hbm>>) target_semaphore(%run_scoped3A : memref<!tpu.dma_semaphore, #tpu.memory_space<semaphore_mem>>)
        %dma_wait3A = tpu.memref_slice %arg3[%mul3A_27] : memref<512xf32, #tpu.memory_space<hbm>> -> memref<32xf32, #tpu.memory_space<hbm>>
        %dma_wait3A_29 = tpu.memref_slice %arg3[%mul3A_27] : memref<512xf32, #tpu.memory_space<hbm>> -> memref<32xf32, #tpu.memory_space<hbm>>
        tpu.wait_dma2 semaphore(%run_scoped3A : memref<!tpu.dma_semaphore, #tpu.memory_space<semaphore_mem>>) src(%arg5 : memref<32xf32, #tpu.memory_space<vmem>>) dst(%dma_wait3A_29 : memref<32xf32, #tpu.memory_space<hbm>>)
        tpu.yield
      }) : () -> ()
    } else {
    }
    return
  }
}

</mosaic_0001>

<sc_bundles>
// kernel: kernel.3.cloned.1.call-start
scs
__scs_entry_jumppad:
0x0: {  	(pc) =	sbr.rel $0x88, $3  }
0x1: {  	(tag) =	ssettag $0x0;
	lr =	simm.s32 $0x1  }
0x2: {  	[smem:$0x3FA0] =	sst lr;
	_ =	strace $0xD0000000  }
0x3: {  	_ = 	snop  }
0x4: {  	_ = 	snop  }
0x5: {  	_ = 	snop  }
0x6: {  	_ = 	snop  }
0x7: {  	_ = 	snop  }
__scs_overlays_trampoline_lowered:
0x8: {  	[smem:$0x3FAF] =	sst s0  }
0x9: {  	[smem:$0x3FB0] =	sst s1  }
0xa: {  	[smem:$0x3FB1] =	sst s2  }
0xb: {  	[smem:$0x3FB2] =	sst s3  }
0xc: {  	[smem:$0x3FB3] =	sst s4  }
0xd: {  	[smem:$0x3FB4] =	sst s5  }
0xe: {  	[smem:$0x3FB5] =	sst s6  }
0xf: {  	[smem:$0x3FB6] =	sst s7  }
0x10: {  	[smem:$0x3FB7] =	sst s8  }
0x11: {  	[smem:$0x3FB8] =	sst s9;
	s0 =	simm.s32 @!p0 $0x0  }
0x12: {  	s1 =	sld [smem:$0x3F9E];
	s0 =	simm.s32 @p0 $0x1  }
0x13: {  	[smem:$0x3FB9] =	sst s0;
	s0 =	simm.s32 @!p1 $0x0  }
0x14: {  	s2 =	sld [smem:$0x3F9D];
	s0 =	simm.s32 @p1 $0x1  }
0x15: {  	[smem:$0x3FBA] =	sst s0;
	s0 =	simm.s32 @!p2 $0x0  }
0x16: {  	s3 =	sld [smem:$0x3FDB];
	s0 =	simm.s32 @p2 $0x1  }
0x17: {  	s4 =	simm.s32 $0x1BF5;
	[smem:$0x3FBC] =	sst s0  }
0x18: {  	s0 =	sld [smem:$0x3F9F];
	_ =	swait.ge [sflag:s4], $0x0  }
0x19: {  	s7 =	sld [smem:$0x3FA0]  }
0x1a: {  	s8 =	sadd.s32 $0xFFFFE003, lr  }
0x1b: {  	s9 =	sadd.s32 $0xFFFFFEF7, lr;
	s5 =	simm.s32 $0xFFFFFFFF;
	p2 =	slt.u32 s8, $0xFFFFF086  }
0x1c: {  	p1 =	slt.u32 s9, $0xF7A;
	s5 =	simm.s32 @!p2 $0x0  }
0x1d: {  	s5 =	simm.s32 @p1 $0x1;
	p0 =	seq.s32 s7, s2  }
0x1e: {  	s7 =	smul.u32 @!p0 $0xF7A, s2;
	p2 =	seq.s32 @!p0 s5, $0x0  }
0x1f: {  	s9 =	smul.u32 $0xF7A, s1;
	s8 =	simm.s32 @!p0 $0x1BF5;
	p2 =	por !p2, p0  }
0x20: {  	[sflag:s8] =	ssyncset.s32 @!p0 $0xFFFFF086;
	s6 =	sadd.s32 @!p0 s3, s7;
	s7 =	simm.s32 @!p0 $0x108  }
0x21: {  	s3 =	sadd.s32 s3, s9;
	s6 =	sadd.s32 @!p0 $0x88, s6;
	s7 =	simm.s32 @p2 $0x1082  }
0x22: {  	[simem:s7], [sflag:s8] =	dma.local @!p0 [hbm:s6], $0xF7A  }
0x23: {  	s9 =	sor.u32 $0xD0000000, s2;
	s6 =	simm.s32 $0x108;
	_ =	swait.ge @!p0 [sflag:s8], $0x0  }
0x24: {  	s3 =	sadd.s32 $0x88, s3;
	s6 =	simm.s32 @!p1 $0x1082;
	[sflag:s4] =	ssyncset.s32 $0xFFFFF086  }
0x25: {  	[simem:s6], [sflag:s4] =	dma.local [hbm:s3], $0xF7A  }
0x26: {  	[smem:$0x3FA0] =	sst s1;
	(tag) =	ssettag s2;
	_ =	strace s9  }
0x27: {  	s1 =	sld [smem:$0x3FB0]  }
0x28: {  	s2 =	sld [smem:$0x3FB1]  }
0x29: {  	s4 =	sld [smem:$0x3FB3]  }
0x2a: {  	p0 =	seq.s32 s5, $0x0;
	s5 =	sld [smem:$0x3FB4]  }
0x2b: {  	s6 =	sld [smem:$0x3FB5]  }
0x2c: {  	s7 =	sld [smem:$0x3FB6]  }
0x2d: {  	s3 =	simm.s32 $0x108;
	s8 =	sld [smem:$0x3FB7]  }
0x2e: {  	s3 =	simm.s32 @!p0 $0x1082;
	s9 =	sld [smem:$0x3FB8]  }
0x2f: {  	lr =	sadd.s32 s0, s3;
	s0 =	sld [smem:$0x3FAF]  }
0x30: {  	s3 =	sld [smem:$0x3FB2]  }
0x31: {  	[smem:$0x3FBB] =	sst s10  }
0x32: {  	s10 =	sld [smem:$0x3FB9];
	_ =	sdelay $0x3  }
0x33: {  	p0 =	seq.s32 s10, $0x1;
	s10 =	sld [smem:$0x3FBB];
	_ =	sdelay $0x3  }
0x34: {  	[smem:$0x3FBB] =	sst s10  }
0x35: {  	s10 =	sld [smem:$0x3FBA];
	_ =	sdelay $0x3  }
0x36: {  	p1 =	seq.s32 s10, $0x1;
	s10 =	sld [smem:$0x3FBB];
	_ =	sdelay $0x3  }
0x37: {  	[smem:$0x3FBB] =	sst s10  }
0x38: {  	s10 =	sld [smem:$0x3FBC]  }
0x39: {  	_ = 	snop;
	(pc) =	sbr.ind lr, $3  }
0x3a: {  	_ = 	snop  }
0x3b: {  	_ = 	snop  }
0x3c: {  	p2 =	seq.s32 s10, $0x1;
	s10 =	sld [smem:$0x3FBB]  }
0x3d: {  	_ =	shalt  }
0x3e: {  	_ =	shalt  }
0x3f: {  	_ =	shalt  }
0x40: {  	_ =	shalt  }
0x41: {  	_ =	shalt  }
0x42: {  	_ =	shalt  }
0x43: {  	_ =	shalt  }
0x44: {  	_ =	shalt  }
0x45: {  	_ =	shalt  }
0x46: {  	_ =	shalt  }
0x47: {  	_ =	shalt  }
0x48: {  	_ =	shalt  }
0x49: {  	_ =	shalt  }
0x4a: {  	_ =	shalt  }
0x4b: {  	_ =	shalt  }
0x4c: {  	_ =	shalt  }
0x4d: {  	_ =	shalt  }
0x4e: {  	_ =	shalt  }
0x4f: {  	_ =	shalt  }
0x50: {  	_ =	shalt  }
0x51: {  	_ =	shalt  }
0x52: {  	_ =	shalt  }
0x53: {  	_ =	shalt  }
0x54: {  	_ =	shalt  }
0x55: {  	_ =	shalt  }
0x56: {  	_ =	shalt  }
0x57: {  	_ =	shalt  }
0x58: {  	_ =	shalt  }
0x59: {  	_ =	shalt  }
0x5a: {  	_ =	shalt  }
0x5b: {  	_ =	shalt  }
0x5c: {  	_ =	shalt  }
0x5d: {  	_ =	shalt  }
0x5e: {  	_ =	shalt  }
0x5f: {  	_ =	shalt  }
0x60: {  	_ =	shalt  }
0x61: {  	_ =	shalt  }
0x62: {  	_ =	shalt  }
0x63: {  	_ =	shalt  }
0x64: {  	_ =	shalt  }
0x65: {  	_ =	shalt  }
0x66: {  	_ =	shalt  }
0x67: {  	_ =	shalt  }
0x68: {  	_ =	shalt  }
0x69: {  	_ =	shalt  }
0x6a: {  	_ =	shalt  }
0x6b: {  	_ =	shalt  }
0x6c: {  	_ =	shalt  }
0x6d: {  	_ =	shalt  }
0x6e: {  	_ =	shalt  }
0x6f: {  	_ =	shalt  }
0x70: {  	_ =	shalt  }
0x71: {  	_ =	shalt  }
0x72: {  	_ =	shalt  }
0x73: {  	_ =	shalt  }
0x74: {  	_ =	shalt  }
0x75: {  	_ =	shalt  }
0x76: {  	_ =	shalt  }
0x77: {  	_ =	shalt  }
0x78: {  	_ =	shalt  }
0x79: {  	_ =	shalt  }
0x7a: {  	_ =	shalt  }
0x7b: {  	_ =	shalt  }
0x7c: {  	_ =	shalt  }
0x7d: {  	_ =	shalt  }
0x7e: {  	_ =	shalt  }
0x7f: {  	_ =	shalt  }
0x80: {  	_ =	shalt  }
0x81: {  	_ =	shalt  }
0x82: {  	_ =	shalt  }
0x83: {  	_ =	shalt  }
0x84: {  	_ =	shalt  }
0x85: {  	_ =	shalt  }
0x86: {  	_ =	shalt  }
0x87: {  	_ =	shalt  }
.Lfunc_end0:
.L_simem_size_0:
called_computation_lowered:
.L_overlay_start_0:
0x88: {  	s0 =	sld [smem:$0x3FD9]  }
0x89: {  	s1 =	sld [smem:$0x3FFE];
	_ =	sdelay $0x3  }
0x8a: {  	s0 =	sadd.s32 s1, s0  }
0x8b: {  	[smem:$0x3FC7] =	sst s0  }
0x8c: {  	_ = 	snop  }
0x8d: {  	s0 =	sld [smem:$0x3FD0];
	(tm) =	ssettm $0x1  }
0x8e: {  	s16 =	sld [smem:$0x3FFB];
	_ =	sdelay $0x3  }
0x8f: {  	_ =	strace s16  }
0x90: {  	s1 =	sld [smem:$0x3FFC];
	_ =	sdelay $0x3  }
0x91: {  	_ =	strace s1  }
0x92: {  	s1 =	sld [smem:$0x3FFD];
	_ =	sdelay $0x3  }
0x93: {  	_ =	strace s1  }
0x94: {  	_ =	strace $0x8FFFFFFF  }
0x95: {  	s17 =	sld [smem:$0x3FDB];
	_ =	sdelay $0x1  }
0x96: {  	s2 =	simm.s32 $_scs_section_size  }
0x97: {  	s3 =	simm.s32 $_size__tile_overlayer_lowered;
	s4 =	simm.s32 $_tile_overlayer_lowered  }
0x98: {  	s20 =	simm.s32 $0x1BFF;
	s19 =	sshll.u32 s4, $0x1;
	s1 =	sadd.s32 s2, s17  }
0x99: {  	s5 =	simm.s32 $0x0;
	s18 =	sshll.u32 s3, $0x1;
	s3 =	sadd.s32 s19, s1  }
0x9a: {  	[timem:s5], [sflag:s20] =	dma.local [hbm:s3], s18  }
0x9b: {  	_ =	swait.ge [sflag:s20], s18  }
0x9c: {  	s2 =	ssub.s32 $0x0, s18;
	[sflag:s20] =	ssyncset.done $0x0  }
0x9d: {  	[sflag:s20] =	ssyncadd.s32 s2;
	_ =	sdelay $0x1  }
0x9e: {  	s21 =	simm.s32 $0x1B8B  }
0x9f: {  	_ =	swait.ge [sflag:s21], $0x1  }
0xa0: {  	[sflag:s21] =	ssyncset.done $0x0  }
0xa1: {  	s23 =	simm.s32 $0x1B8E;
	s22 =	sld [smem:$0x3FFE];
	[sflag:s21] =	ssyncadd.s32 $0xFFFFFFFF  }
0xa2: {  	s24 =	simm.s32 $execute0_lowered;
	[smem:$0x3FD2] =	sst s23  }
0xa3: {  	s3 =	sshll.u32 s24, $0x1;
	_ =	strace $0x80000046;
	[dreg:$0x1] =	wrdreg $0xFFFFFFFF  }
0xa4: {  	s25 =	simm.s32 $_size_execute0_lowered;
	s1 =	sadd.s32 s1, s3;
	[dreg:$0x0] =	wrdreg $0x0  }
0xa5: {  	s3 =	sshll.u32 s25, $0x1;
	[dreg:$0x2] =	wrdreg s1  }
0xa6: {  	[dreg:$0x3] =	wrdreg s3  }
0xa7: {  	[dreg:$0x4] =	wrdreg $0xC0  }
0xa8: {  	_ =	task [dreg:s5], $0x5FFFF  }
0xa9: {  	[dreg:$0x1] =	wrdreg $0xFFFFFFFF  }
0xaa: {  	[dreg:$0x0] =	wrdreg $0x60  }
0xab: {  	[dreg:$0x2] =	wrdreg s22  }
0xac: {  	[dreg:$0x3] =	wrdreg s0  }
0xad: {  	[dreg:$0x4] =	wrdreg $0x9  }
0xae: {  	_ =	task.clear_ibuf [dreg:s5], $0x5FFFF;
	_ =	strace $0x90000046  }
0xaf: {  	s26 =	simm.s32 $0x9;
	_ =	strace $0x80000048  }
0xb0: {  	_ =	swait.ge [sflag:s26], $0x1  }
0xb1: {  	[sflag:s26] =	ssyncadd.s32 $0xFFFFFFFF  }
0xb2: {  	_ =	strace $0x90000048  }
0xb3: {  	_ =	sfence  }
0xb4: {  	s28 =	sld [smem:$0x0];
	_ =	sdelay $0x1  }
0xb5: {  	s29 =	srdreg.scid  }
0xb6: {  	s30 =	sshll.u32 s29, $0xD;
	s31 =	sshrl.u32 s29, $0x2  }
0xb7: {  	s2 =	sand.u32 $0x4000, s30;
	s1 =	sand.u32 $0x1, s29;
	s0 =	sadd.s32 s31, s28  }
0xb8: {  	s1 =	sor.u32 s2, s1;
	s0 =	sshll.u32 s0, $0x11  }
0xb9: {  	s0 =	sor.u32 s0, s1  }
0xba: {  	s0 =	sadd.s32 $0x8F2B, s0  }
0xbb: {  	[sflag:s0] =	ssyncadd.remote.s32 $0x1  }
0xbc: {  	_ =	sfence.sel $0xFFFF  }
0xbd: {  	[dreg:$0x0] =	wrdreg $0xFFFFFFFF;
	(pc) =	sbr.abs _section_cstart, $3  }
0xbe: {  	[dreg:$0x1] =	wrdreg $0xFFFFFFFF  }
0xbf: {  	_ =	task.clear_ibuf [dreg:s5], $0x2FFFF;
	_ =	strace $0x9FFFFFFF  }
0xc0: {  	(tm) =	ssettm $0x7FFFFFFF  }
0xc1: {  	_ =	shalt  }
tec
execute0_lowered:
.L_overlay_start_1:
0x0: {  	(tag) =	ssettag $0x1  }
0x1: {  	s4 =	rddreg [dreg:$0x0];
	s0 =	stileid.u32  }
0x2: {  	s2 =	rddreg [dreg:$0x1];
	s5 =	smul.u32 $0x188, s0  }
0x3: {  	s1 =	rddreg [dreg:$0x2];
	s3 =	simm.s32 $0x0  }
0x4: {  	[smem:$0x7FF] =	sst s3;
	s19 =	smulhi.u32 $0xCCCCCCCD, s3;
	s4 =	sadd.s32 s5, s4  }
0x5: {  	s18 =	smul.u32 $0xCD, s3;
	_ =	strace $0x80000047;
	s4 =	sadd.s32 $0x400, s4  }
0x6: {  	[tilespmem:s3], [sflag:$0x1] =	stream.linear.gather [hbm4b:s4+s3], $0x2A0, $0x38;
	[tilespmem:$0x2C0] =	vst v63  }
0x7: {  	s4 =	sshrl.u32 s18, $0xA  }
0x8: {  	s5 =	sshrl.u32 s19, $0x2;
	s4 =	sand.u32 $0x3F, s4  }
0x9: {  	v0 =	vlaneseq.u32;
	s5 =	smul.u32 $0xFFFFFFFB, s5;
	v1 =	vmov s4  }
0xa: {  	s20 =	simm.s32 $0x1;
	v0 =	vmul.u32 $0xE, v0;
	v1 =	vmul.u32 $0xE0, v1  }
0xb: {  	s6 =	smul.u32 $0xCD, s20;
	s5 =	sadd.s32 $0x0, s5  }
0xc: {  	s4 =	smulhi.u32 $0xCCCCCCCD, s20;
	v2 =	vadd.s32 s5, v0;
	v1 =	vbroadcast v1, $0x0  }
0xd: {  	s21 =	sshrl.u32 s6, $0xA;
	v3 =	vand.u32 $0xFFFFFFF8, v2  }
0xe: {  	s5 =	sand.u32 $0x3F, s21;
	v2 =	vand.u32 $0x7, v2;
	s4 =	sshrl.u32 s4, $0x2;
	v1 =	vadd.s32 v1, v3  }
0xf: {  	s22 =	simm.s32 $0x2;
	s4 =	smul.u32 $0xFFFFFFFB, s4;
	v3 =	vmov s5;
	v1 =	vor.u32 v2, v1  }
0x10: {  	s23 =	simm.s32 $0x1;
	s7 =	smul.u32 $0xCD, s22;
	v2 =	vmul.u32 $0xE0, v3  }
0x11: {  	s6 =	smulhi.u32 $0xCCCCCCCD, s22;
	_ =	swait.ge [sflag:s23], $0x2A0;
	s4 =	sadd.s32 $0x1, s4  }
0x12: {  	s24 =	sshrl.u32 s7, $0xA;
	[sflag:s23] =	ssyncset.done $0x0;
	v3 =	vadd.s32 s4, v0;
	v2 =	vbroadcast v2, $0x0  }
0x13: {  	s26 =	sand.u32 $0x3F, s24;
	s25 =	sshrl.u32 s6, $0x2;
	[sflag:s23] =	ssyncadd.s32 $0xFFFFFD60;
	v4 =	vand.u32 $0xFFFFFFF8, v3  }
0x14: {  	s5 =	smul.u32 $0xFFFFFFFB, s25;
	s4 =	simm.s32 $0x3;
	v3 =	vand.u32 $0x7, v3;
	v2 =	vadd.s32 v2, v4;
	v4 =	vld.idx.msk [tilespmem:v1+s3+$0x0], $0xffff;
	v1 =	vmov s26  }
0x15: {  	s28 =	smul.u32 $0xCD, s4;
	v2 =	vor.u32 v3, v2;
	v1 =	vmul.u32 $0xE0, v1  }
0x16: {  	s5 =	sadd.s32 $0x2, s5  }
0x17: {  	s29 =	smulhi.u32 $0xCCCCCCCD, s4;
	s30 =	sshrl.u32 s28, $0xA;
	v3 =	vadd.s32 s5, v0;
	v5 =	vbroadcast v1, $0x0  }
0x18: {  	s5 =	sand.u32 $0x3F, s30;
	v6 =	vand.u32 $0xFFFFFFF8, v3;
	v3 =	vand.u32 $0x7, v3;
	v1 =	vimm.f32 $0.0e+00  }
0x19: {  	s31 =	sshrl.u32 s29, $0x2;
	v5 =	vadd.s32 v5, v6;
	vm0 =	vle.f32 v4, $0.0e+00;
	v6 =	vmov s5  }
0x1a: {  	s6 =	smul.u32 $0xFFFFFFFB, s31;
	s5 =	simm.s32 $0x4;
	v2 =	vld.idx.msk [tilespmem:v2+s3+$0x0], $0xffff;
	v4 =	vor.u32 v3, v5;
	v5 =	vsel vm0, $0x3F800000, v1;
	v3 =	vimm.f32 $0.0e+00  }
.LBB2_1:
0x1b: {  	s7 =	smul.u32 $0xCD, s5;
	v6 =	vmul.u32 $0xE0, v6;
	v3 =	vadd.f32 v5, v3;
	s8 =	smov.u32 s5;
	p0 =	sne.s32 s5, $0xE  }
.Ltmp0:
0x1c: {  	s5 =	sadd.s32 $0x1, s5;
	s4 =	sadd.s32 s6, s4;
	(pc) =	sbr.rel @p0 .LBB2_1-.Ltmp0, $4  }
0x1d: {  	s6 =	smulhi.u32 $0xCCCCCCCD, s8;
	v5 =	vadd.s32 s4, v0;
	v6 =	vbroadcast v6, $0x0;
	s4 =	smov.u32 s8  }
0x1e: {  	s7 =	sshrl.u32 s7, $0xA;
	v7 =	vand.u32 $0xFFFFFFF8, v5  }
0x1f: {  	s6 =	sshrl.u32 s6, $0x2;
	s7 =	sand.u32 $0x3F, s7;
	v5 =	vand.u32 $0x7, v5;
	vm0 =	vle.f32 v2, $0.0e+00;
	v7 =	vadd.s32 v6, v7;
	v2 =	vld.idx.msk [tilespmem:v4+s3+$0x0], $0xffff  }
0x20: {  	s6 =	smul.u32 $0xFFFFFFFB, s6;
	v6 =	vmov s7;
	v4 =	vor.u32 v5, v7;
	v5 =	vsel vm0, $0x3F800000, v1  }
0x21: {  	v6 =	vmul.u32 $0xE0, v6  }
0x22: {  	s4 =	sadd.s32 s6, s4  }
0x23: {  	v0 =	vadd.s32 s4, v0;
	v6 =	vbroadcast v6, $0x0  }
0x24: {  	v7 =	vand.u32 $0xFFFFFFF8, v0  }
0x25: {  	v0 =	vand.u32 $0x7, v0;
	v6 =	vadd.s32 v6, v7  }
0x26: {  	v0 =	vor.u32 v0, v6;
	_ =	sdelay $0x2  }
0x27: {  	v4 =	vld.idx.msk [tilespmem:v4+s3+$0x0], $0xffff;
	_ =	sdelay $0x1  }
0x28: {  	v0 =	vld.idx.msk [tilespmem:v0+s3+$0x0], $0xffff  }
0x29: {  	v3 =	vadd.f32 v5, v3;
	vm0 =	vle.f32 v2, $0.0e+00  }
0x2a: {  	v2 =	vsel vm0, $0x3F800000, v1  }
0x2b: {  	v62 =	vlaneseq.u32;
	v2 =	vadd.f32 v2, v3;
	vm14 =	vle.f32 v4, $0.0e+00  }
0x2c: {  	v3 =	vmul.u32 $0x2, v62;
	v4 =	vsel vm14, $0x3F800000, v1  }
0x2d: {  	v2 =	vadd.f32 v4, v2;
	vm15 =	vle.f32 v0, $0.0e+00  }
0x2e: {  	v63 =	vor.u32 $0x1, v3;
	v0 =	vsel vm15, $0x3F800000, v1  }
0x2f: {  	v0 =	vadd.f32 v0, v2;
	_ =	sdelay $0x1  }
0x30: {  	s28 =	simm.s32 $0x2A0;
	v2 =	vsub.f32 $1.500000000e+01, v0  }
0x31: {  	s29 =	sshll.u32 s0, $0x2;
	[tilespmem:v3+s28+$0x0] =	vst.idx.msk $0xffff, v0  }
0x32: {  	s30 =	simm.s32 $0x0;
	s31 =	simm.s32 $0x1;
	s2 =	sadd.s32 s2, s29;
	[tilespmem:v63+s28+$0x0] =	vst.idx.msk $0xffff, v2  }
0x33: {  	[hbm4b:s2+s30] =	stream.linear.scatter [tilespmem:s28], [sflag:$0x1], $0x20, $0x38;
	[tilespmem:$0x2C0] =	vst v63  }
0x34: {  	_ =	swait.ge [sflag:s31], $0x20  }
0x35: {  	[sflag:s31] =	ssyncset.done $0x0  }
0x36: {  	[sflag:s31] =	ssyncadd.s32 $0xFFFFFFE0  }
0x37: {  	_ =	sfence.sel $0x180000  }
0x38: {  	[bflag:$0x0] =	sbarrier.arrive $0xFFFF  }
0x39: {  	p0 =	sne.s32 s0, $0x0;
	_ =	strace $0x90000047  }
0x3a: {  	s0 =	sadd.s32 @!p0 $0x100000, s1;
	[bflag:$0x2] =	sbarrier.arrive $0xFFFF  }
0x3b: {  	[sflag:s0] =	ssyncadd.tile.s32 @!p0 $0x1;
	_ =	shalt  }
.Lfunc_end2:
_tile_overlayer_lowered:
.L_overlay_start_2:
0x3c: {  	(tag) =	ssettag $0x2  }
0x3d: {  	s0 =	rddreg [dreg:$0x0];
	s2 =	stileid.u32  }
0x3e: {  	s1 =	rddreg [dreg:$0x1];
	p0 =	sne.s32 s2, $0x0  }
0x3f: {  	s3 =	rddreg [dreg:$0x2];
	[bflag:$0x3] =	sbarrier.arrive $0xFFFF;
	s2 =	simm.s32 @!p0 $0x1C01  }
0x40: {  	[timem:s3], [sflag:s2] =	dma.local @!p0 [hbm:s0], s1  }
0x41: {  	s0 =	simm.s32 @!p0 $0x1  }
0x42: {  	_ =	swait.ge @!p0 [sflag:s0], s1  }
0x43: {  	s1 =	ssub.s32 @!p0 $0x0, s1;
	[sflag:s0] =	ssyncset.done @!p0 $0x0  }
0x44: {  	[sflag:s0] =	ssyncadd.s32 @!p0 s1  }
0x45: {  	[bflag:$0x3] =	sbarrier.arrive $0xFFFF  }
0x46: {  	_ =	shalt  }

</sc_bundles>
